<compile_context>
chip_gen: v7x
topology: tpu7x:2x2x1
jax: 0.10.2.dev20260603
libtpu: 0.0.44.dev20260713+nightly
codegen_flags: <defaults>
</compile_context>

<pallas_src>
import functools

import jax
import jax.numpy as jnp
import numpy as np
from jax import lax
from jax.experimental import pallas as pl
from jax.experimental.pallas import tpu as pltpu
from jax.experimental.pallas import tpu_sc as plsc

N_ATOMS = 2048
BOX = 24.0
R_CUT = 5.0
N_GAUSS = 50
HID = 256
NFILT = 256
SHIFT = float(np.log(2.0))

EA_PAD = 64
EDGE_BLK = 2048

NC = 2
NS = 16
NW = NC * NS
APW = N_ATOMS // NW
WCAP = 6144
NEDIR = NW * WCAP
CH = 128
ACC_ROWS = APW + 8
TRASH_XH = N_ATOMS
XH_ROWS = N_ATOMS + 128

R2CUT = R_CUT * R_CUT


def _ssp(x):
    return jax.nn.softplus(x) - SHIFT



def _nbr_body(d2_hbm, jidx_hbm, d2e_hbm, dst_hbm, cnt_hbm,
              d2row_v, jbuf_v, d2buf_v, dstbuf_v, cnt_v):
    cid = lax.axis_index("c")
    sid = lax.axis_index("s")
    wid = sid * NC + cid
    lanes = lax.iota(jnp.int32, 16)

    def pre(k, _):
        sl = pl.ds(k * 16, 16)
        jbuf_v[sl] = jnp.full((16,), TRASH_XH, jnp.int32)
        d2buf_v[sl] = jnp.zeros((16,), jnp.float32)
        dstbuf_v[sl] = jnp.full((16,), APW * NFILT, jnp.int32)
        return 0
    lax.fori_loop(0, WCAP // 16, pre, 0)

    def per_row(a, ptrs):
        i = wid * APW + a
        pltpu.sync_copy(d2_hbm.at[i], d2row_v)

        def per_vec(v, ptrs):
            ptr_a, ptr_b = ptrs
            dva = d2row_v[pl.ds(v * 16, 16)]
            dvb = d2row_v[pl.ds((v + 64) * 16, 16)]
            ja = lanes + v * 16
            jb = lanes + (v + 64) * 16
            ma = (dva < R2CUT) & (ja != i)
            mb = (dvb < R2CUT) & (jb != i)
            pos_a = ptr_a + plsc.cumsum(ma.astype(jnp.int32)) - 1
            pos_b = ptr_b + plsc.cumsum(mb.astype(jnp.int32)) - 1
            dst = jnp.full((16,), a * NFILT, jnp.int32)
            plsc.store_scatter(jbuf_v, [pos_a], ja, mask=ma)
            plsc.store_scatter(jbuf_v, [pos_b], jb, mask=mb)
            plsc.store_scatter(d2buf_v, [pos_a], dva, mask=ma)
            plsc.store_scatter(d2buf_v, [pos_b], dvb, mask=mb)
            plsc.store_scatter(dstbuf_v, [pos_a], dst, mask=ma)
            plsc.store_scatter(dstbuf_v, [pos_b], dst, mask=mb)
            return (ptr_a + plsc.all_reduce_population_count(ma),
                    ptr_b + plsc.all_reduce_population_count(mb))
        return lax.fori_loop(0, N_ATOMS // 32, per_vec, ptrs)

    half = jnp.full((16,), WCAP // 2, jnp.int32)
    cnt_a, cnt_b = lax.fori_loop(
        0, APW, per_row, (jnp.zeros((16,), jnp.int32), half))

    base = wid * WCAP
    pltpu.sync_copy(jbuf_v, jidx_hbm.at[pl.ds(base, WCAP)])
    pltpu.sync_copy(d2buf_v, d2e_hbm.at[pl.ds(base, WCAP)])
    pltpu.sync_copy(dstbuf_v, dst_hbm.at[pl.ds(base, WCAP)])
    cnt_v[...] = jnp.where(lanes < 8, cnt_a, cnt_b - (WCAP // 2))
    pltpu.sync_copy(cnt_v, cnt_hbm.at[pl.ds(wid * 16, 16)])


@jax.jit
def _build_nbr(d2):
    mesh = plsc.VectorSubcoreMesh(core_axis_name="c", subcore_axis_name="s")
    f = pl.kernel(
        _nbr_body,
        out_type=[
            jax.ShapeDtypeStruct((NEDIR,), jnp.int32),
            jax.ShapeDtypeStruct((NEDIR,), jnp.float32),
            jax.ShapeDtypeStruct((NEDIR,), jnp.int32),
            jax.ShapeDtypeStruct((NW * 16,), jnp.int32),
        ],
        mesh=mesh,
        compiler_params=pltpu.CompilerParams(needs_layout_passes=False),
        scratch_types=[
            pltpu.VMEM((N_ATOMS,), jnp.float32),
            pltpu.VMEM((WCAP,), jnp.int32),
            pltpu.VMEM((WCAP,), jnp.float32),
            pltpu.VMEM((WCAP,), jnp.int32),
            pltpu.VMEM((16,), jnp.int32),
        ],
    )
    return f(d2)



def _edge_mlp_body(ea_ref, w1_ref, b1_ref, w2_ref, b2_ref, h_ref):
    t = jnp.dot(ea_ref[...].astype(jnp.float32), w1_ref[...],
                preferred_element_type=jnp.float32)
    t = jax.nn.softplus(t + b1_ref[...]) - SHIFT
    h = jnp.dot(t.astype(jnp.bfloat16), w2_ref[...],
                preferred_element_type=jnp.float32)
    h = h + b2_ref[...]
    lo = jax.lax.bitcast_convert_type(
        h[:, :NFILT // 2].astype(jnp.bfloat16), jnp.uint16).astype(jnp.uint32)
    hi = jax.lax.bitcast_convert_type(
        h[:, NFILT // 2:].astype(jnp.bfloat16), jnp.uint16).astype(jnp.uint32)
    h_ref[...] = jax.lax.bitcast_convert_type(lo | (hi << 16), jnp.int32)


def _edge_mlp(ea_pad, w1p, b1, w2, b2):
    n_blk = NEDIR // EDGE_BLK
    return pl.pallas_call(
        _edge_mlp_body,
        grid=(n_blk,),
        in_specs=[
            pl.BlockSpec((EDGE_BLK, EA_PAD), lambda i: (i, 0)),
            pl.BlockSpec((EA_PAD, NFILT), lambda i: (0, 0)),
            pl.BlockSpec((1, NFILT), lambda i: (0, 0)),
            pl.BlockSpec((NFILT, NFILT), lambda i: (0, 0)),
            pl.BlockSpec((1, NFILT), lambda i: (0, 0)),
        ],
        cost_estimate=pl.CostEstimate(
            flops=2 * EDGE_BLK * NFILT * (EA_PAD + NFILT) * (NEDIR // EDGE_BLK),
            bytes_accessed=NEDIR * (2 * EA_PAD + 2 * NFILT),
            transcendentals=NEDIR * NFILT),
        out_specs=pl.BlockSpec((EDGE_BLK, NFILT // 2), lambda i: (i, 0)),
        out_shape=jax.ShapeDtypeStruct((NEDIR, NFILT // 2), jnp.int32),
    )(ea_pad, w1p, b1, w2, b2)



def _gms_body(xh_hbm, h_hbm, jidx_hbm, off_hbm, cnt_hbm, out_hbm,
              jidx0_v, off0_v, h0_v, gx0_v, jidx1_v, off1_v, h1_v, gx1_v,
              acc_v, cnt_v, xh_sh,
              sgx0, sh0, sgx1, sh1, sidx0, sidx1):
    cid = lax.axis_index("c")
    sid = lax.axis_index("s")
    wid = sid * NC + cid
    lanes = lax.iota(jnp.int32, 16)

    pltpu.sync_copy(xh_hbm.at[pl.ds(sid * (XH_ROWS // NS), XH_ROWS // NS)],
                    xh_sh.at[pl.ds(sid * (XH_ROWS // NS), XH_ROWS // NS)])

    def zacc(k, _):
        acc_v[pl.ds(k * 16, 16)] = jnp.zeros((16,), jnp.float32)
        return 0
    lax.fori_loop(0, 2 * ACC_ROWS * NFILT // 16, zacc, 0)
    plsc.subcore_barrier()

    pltpu.sync_copy(cnt_hbm, cnt_v)

    def cnt_at(pos):
        acc = jnp.int32(0)
        for k in range(2 * NW // 16):
            ck = cnt_v[pl.ds(k * 16, 16)]
            acc = acc + jnp.sum(jnp.where(lanes + k * 16 == pos, ck, 0))
        return acc

    slots = ((jidx0_v, off0_v, h0_v, gx0_v, sgx0, sh0, sidx0),
             (jidx1_v, off1_v, h1_v, gx1_v, sgx1, sh1, sidx1))

    def run_region(rbase, cnt):
        npairs = jnp.maximum((cnt + 2 * CH - 1) // (2 * CH), 1)

        def issue_idx(ci, s):
            jv, ov, hv, gv, sgx, sh, sidx = slots[s]
            base = rbase + ci * CH
            pltpu.async_copy(jidx_hbm.at[pl.ds(base, CH)], jv, sidx)
            pltpu.async_copy(off_hbm.at[pl.ds(base * 16, CH * 16)], ov, sidx)

        def issue_data(ci, s):
            jv, ov, hv, gv, sgx, sh, sidx = slots[s]
            base = rbase + ci * CH
            pltpu.make_async_copy(jidx_hbm.at[pl.ds(base, CH)], jv,
                                  sidx).wait()
            pltpu.make_async_copy(off_hbm.at[pl.ds(base * 16, CH * 16)], ov,
                                  sidx).wait()
            pltpu.async_copy(xh_sh.at[jv], gv, sgx)
            pltpu.async_copy(h_hbm.at[pl.ds(base, CH)], hv, sh)

        def wait_compute(ci, s, nidx):
            jv, ov, hv, gv, sgx, sh, sidx = slots[s]
            base = rbase + ci * CH
            pltpu.make_async_copy(xh_sh.at[jv], gv, sgx).wait()
            pltpu.make_async_copy(h_hbm.at[pl.ds(base, CH)], hv, sh).wait()

            @plsc.parallel_loop(0, CH, 1, unroll=2)
            def per_edge(e):
                offrow = ov[pl.ds(e * 16, 16)]
                for g in range(NFILT // 32):
                    hw = hv[e, pl.ds(g * 16, 16)]
                    gw = gv[e, pl.ds(g * 16, 16)]
                    ha = plsc.bitcast(hw << 16, jnp.float32)
                    hc = plsc.bitcast(hw & jnp.int32(-65536), jnp.float32)
                    ga = plsc.bitcast(gw << 16, jnp.float32)
                    gc = plsc.bitcast(gw & jnp.int32(-65536), jnp.float32)
                    idx = offrow + (g * 16) + lanes
                    plsc.addupdate_scatter(acc_v, [idx], ha * ga)
                    plsc.addupdate_scatter(acc_v, [idx + NFILT // 2],
                                           hc * gc)

            @pl.when(nidx < 2 * npairs)
            def _():
                issue_idx(nidx, s)

        issue_idx(0, 0)
        issue_idx(1, 1)
        issue_data(0, 0)

        def pair(i, _):
            issue_data(2 * i + 1, 1)
            wait_compute(2 * i, 0, 2 * i + 2)

            @pl.when(i < npairs - 1)
            def _():
                issue_data(2 * i + 2, 0)
            wait_compute(2 * i + 1, 1, 2 * i + 3)
            return 0
        lax.fori_loop(0, npairs, pair, 0)

    run_region(wid * WCAP, cnt_at(2 * wid))
    run_region(wid * WCAP + WCAP // 2, cnt_at(2 * wid + 1))

    def macc(k, _):
        sl = pl.ds(k * 16, 16)
        sl2 = pl.ds(ACC_ROWS * NFILT + k * 16, 16)
        acc_v[sl] = acc_v[sl] + acc_v[sl2]
        return 0
    lax.fori_loop(0, APW * NFILT // 16, macc, 0)
    pltpu.sync_copy(acc_v.at[pl.ds(0, APW * NFILT)],
                    out_hbm.at[pl.ds(wid * APW * NFILT, APW * NFILT)])


@jax.jit
def _gather_mul_acc(xh_pad, h, jidx, off_rep, cnts):
    mesh = plsc.VectorSubcoreMesh(core_axis_name="c", subcore_axis_name="s")
    f = pl.kernel(
        _gms_body,
        out_type=jax.ShapeDtypeStruct((N_ATOMS * NFILT,), jnp.float32),
        mesh=mesh,
        compiler_params=pltpu.CompilerParams(needs_layout_passes=False),
        scratch_types=[
            pltpu.VMEM((CH,), jnp.int32),
            pltpu.VMEM((CH * 16,), jnp.int32),
            pltpu.VMEM((CH, NFILT // 2), jnp.int32),
            pltpu.VMEM((CH, NFILT // 2), jnp.int32),
            pltpu.VMEM((CH,), jnp.int32),
            pltpu.VMEM((CH * 16,), jnp.int32),
            pltpu.VMEM((CH, NFILT // 2), jnp.int32),
            pltpu.VMEM((CH, NFILT // 2), jnp.int32),
            pltpu.VMEM((2 * ACC_ROWS * NFILT,), jnp.float32),
            pltpu.VMEM((2 * NW,), jnp.int32),
            pltpu.VMEM_SHARED((XH_ROWS, NFILT // 2), jnp.int32),
            pltpu.SemaphoreType.DMA,
            pltpu.SemaphoreType.DMA,
            pltpu.SemaphoreType.DMA,
            pltpu.SemaphoreType.DMA,
            pltpu.SemaphoreType.DMA,
            pltpu.SemaphoreType.DMA,
        ],
    )
    return f(xh_pad, h, jidx, off_rep, cnts).reshape(N_ATOMS, NFILT)


def kernel(pos, z, cell, params):
    p = pos.astype(jnp.float32)
    c = cell.astype(jnp.float32)
    inv = jnp.linalg.inv(c)

    disp = p[:, None, :] - p[None, :, :]
    frac = disp @ inv
    frac = frac - jnp.round(frac)
    disp = frac @ c
    d2 = (disp ** 2).sum(-1)

    jidx, d2e, dstl, cnt8 = _build_nbr(d2)
    cnts = cnt8.reshape(NW, 2, 8)[:, :, 0].reshape(-1)
    off_rep = jnp.broadcast_to(dstl[:, None], (NEDIR, 16)).reshape(-1)

    dist = jnp.sqrt(d2e)
    offsets = jnp.linspace(0.0, R_CUT, N_GAUSS)
    width = offsets[1] - offsets[0]
    coeff = -0.5 / (width ** 2)
    ea = jnp.exp(coeff * (dist[:, None] - offsets[None, :]) ** 2)
    ea_pad = jnp.zeros((NEDIR, EA_PAD), jnp.float32).at[:, :N_GAUSS].set(ea)

    x = jnp.take(params['emb'], z, axis=0)
    hs = []
    for blk in params['blocks']:
        w1p = jnp.zeros((EA_PAD, NFILT), jnp.float32).at[:N_GAUSS].set(
            blk['mlp1']['w'])
        hs.append(_edge_mlp(ea_pad, w1p, blk['mlp1']['b'][None, :],
                            blk['mlp2']['w'].astype(jnp.bfloat16),
                            blk['mlp2']['b'][None, :]))
    for h_bits, blk in zip(hs, params['blocks']):
        xh = x @ blk['lin1']['w']
        xlo = jax.lax.bitcast_convert_type(
            xh[:, :NFILT // 2].astype(jnp.bfloat16),
            jnp.uint16).astype(jnp.uint32)
        xhi = jax.lax.bitcast_convert_type(
            xh[:, NFILT // 2:].astype(jnp.bfloat16),
            jnp.uint16).astype(jnp.uint32)
        xw = jax.lax.bitcast_convert_type(xlo | (xhi << 16), jnp.int32)
        xh_bits = jnp.zeros((XH_ROWS, NFILT // 2),
                            jnp.int32).at[:N_ATOMS].set(xw)
        aggr = _gather_mul_acc(xh_bits, h_bits, jidx, off_rep, cnts)
        y = aggr @ blk['lin2']['w'] + blk['lin2']['b']
        y = _ssp(y)
        y = y @ blk['lin']['w'] + blk['lin']['b']
        x = x + y
    o = _ssp(x @ params['out1']['w'] + params['out1']['b'])
    o = o @ params['out2']['w'] + params['out2']['b']
    return jnp.sum(o)

# --- scband reference (transcript-rebuilt; emitter-appended) ---
"""Pipeline reference for scband-sch-net-4647154614869 (READ-ONLY COPY).

The authoritative reference and input builder live on the scoring server;
editing this copy changes nothing except your own understanding.
"""

import jax, jax.numpy as jnp
import numpy as np

N_ATOMS = 2048
BOX = 24.0
R_CUT = 5.0
N_GAUSS = 50
HID = 256
NFILT = 256
N_INTER = 3
N_TYPES = 200
SHIFT = float(np.log(2.0))
MAX_EDGES = 131072


def ssp(x):
    return jax.nn.softplus(x) - SHIFT


def build_nbr_list(pos, cell, r_cut):
    # periodic minimum-image neighbor list (i < j pairs), fixed-size padded
    p = pos.astype(jnp.float32)
    c = cell.astype(jnp.float32)
    inv = jnp.linalg.inv(c)
    disp = p[:, None, :] - p[None, :, :]
    frac = disp @ inv
    frac = frac - jnp.round(frac)
    disp = frac @ c
    d2 = (disp ** 2).sum(-1)
    n = p.shape[0]
    mask = jnp.triu(jnp.ones((n, n), dtype=bool), 1) & (d2 < r_cut ** 2)
    row, col = jnp.nonzero(mask, size=MAX_EDGES, fill_value=0)
    return row.astype(jnp.int32), col.astype(jnp.int32)


def _lin(k, fi, fo, bias=True):
    w = jax.random.normal(k, (fi, fo), jnp.float32) / np.sqrt(fi)
    if bias:
        return {'w': w, 'b': jnp.zeros((fo,), jnp.float32)}
    return {'w': w}


def init_params(key):
    ks = list(jax.random.split(key, 64))
    it = iter(ks)
    p = {'emb': jax.random.normal(next(it), (N_TYPES, HID), jnp.float32)}
    blocks = []
    for _ in range(N_INTER):
        blocks.append({
            'mlp1': _lin(next(it), N_GAUSS, NFILT),
            'mlp2': _lin(next(it), NFILT, NFILT),
            'lin1': _lin(next(it), HID, NFILT, bias=False),
            'lin2': _lin(next(it), NFILT, HID),
            'lin': _lin(next(it), HID, HID),
        })
    p['blocks'] = blocks
    p['out1'] = _lin(next(it), HID, HID // 2)
    p['out2'] = _lin(next(it), HID // 2, 1)
    return p


def setup_inputs(seed: int = 0):
    key = jax.random.key(seed)
    k1, k2, k3 = jax.random.split(key, 3)
    pos = jax.random.uniform(k1, (N_ATOMS, 3), jnp.float32) * BOX
    z = jax.random.randint(k2, (N_ATOMS,), 0, 100).astype(jnp.int32)
    cell = jnp.eye(3, dtype=jnp.float32) * BOX
    params = init_params(k3)
    return {'pos': pos, 'z': z, 'cell': cell, 'params': params}


def schnet_fwd(pos, z, cell, params, row, col):
    # recompute distances with minimum-image convention (differentiable path)
    inv = jnp.linalg.inv(cell)
    disp = pos[row] - pos[col]
    frac = disp @ inv
    frac = frac - jnp.round(frac)
    disp = frac @ cell
    dist = jnp.sqrt(jnp.sum(disp ** 2, axis=-1))
    valid = row < col
    # GaussianSmearing (non-trainable buffers)
    offsets = jnp.linspace(0.0, R_CUT, N_GAUSS)
    width = offsets[1] - offsets[0]
    coeff = -0.5 / (width ** 2)
    edge_attr = jnp.exp(coeff * (dist[:, None] - offsets[None, :]) ** 2)
    # embedding lookup
    x = jnp.take(params['emb'], z, axis=0)
    for blk in params['blocks']:
        # per-edge filter MLP: Linear -> ShiftedSoftplus -> Linear
        h = ssp(edge_attr @ blk['mlp1']['w'] + blk['mlp1']['b'])
        h = h @ blk['mlp2']['w'] + blk['mlp2']['b']
        h = jnp.where(valid[:, None], h, 0.0)
        # cosine cutoff C computed but unused, faithful to original SchConv.forward
        C = 0.5 * (jnp.cos(dist * jnp.pi / R_CUT) + 1.0)
        xh = x @ blk['lin1']['w']
        m1 = h * xh[row]
        m2 = h * xh[col]
        aggr = jnp.zeros_like(xh).at[col].add(m1) + jnp.zeros_like(xh).at[row].add(m2)
        y = aggr @ blk['lin2']['w'] + blk['lin2']['b']
        y = ssp(y)
        y = y @ blk['lin']['w'] + blk['lin']['b']
        x = x + y
    o = ssp(x @ params['out1']['w'] + params['out1']['b'])
    o = o @ params['out2']['w'] + params['out2']['b']
    return jnp.sum(o)


def reference(pos, z, cell, params):
    row, col = build_nbr_list(pos, cell, R_CUT)
    return schnet_fwd(pos, z, cell, params, row, col)

if __name__ == "__main__":
    import jax
    _d = setup_inputs()
    print(jax.jit(kernel)(*tuple(_d.values())))

</pallas_src>

<mosaic_0001>
#map = affine_map<(d0, d1) -> (0, 0)>
#map1 = affine_map<(d0, d1) -> (0)>
module attributes {stable_mosaic.version = 14 : i64} {
  func.func @_nbr_body(%arg0: i32, %arg1: i32, %arg2: memref<2048x2048xf32, #tpu.memory_space<hbm>>, %arg3: memref<196608xi32, #tpu.memory_space<hbm>>, %arg4: memref<196608xf32, #tpu.memory_space<hbm>>, %arg5: memref<196608xi32, #tpu.memory_space<hbm>>, %arg6: memref<512xi32, #tpu.memory_space<hbm>>, %arg7: memref<2048xf32, #tpu.memory_space<vmem>>, %arg8: memref<6144xi32, #tpu.memory_space<vmem>>, %arg9: memref<6144xf32, #tpu.memory_space<vmem>>, %arg10: memref<6144xi32, #tpu.memory_space<vmem>>, %arg11: memref<16xi32, #tpu.memory_space<vmem>>) attributes {dimension_semantics = [#tpu.dimension_semantics<core_parallel>, #tpu.dimension_semantics<subcore_parallel>], iteration_bounds = array<i64: 2, 16>, scalar_prefetch = 0 : i64, scratch_operands = 5 : i64, tpu.core_type = #tpu.core_type<sc_vector_subcore>, window_params = [{transform_indices = #map}, {transform_indices = #map1}, {transform_indices = #map1}, {transform_indices = #map1}, {transform_indices = #map1}]} {
    %mul3A = arith.constant 2 : i32
    %mul3A_0 = arith.muli %arg1, %mul3A : i32
    %add3A = arith.addi %mul3A_0, %arg0 : i32
    %iota3A = tpu.iota {dimensions = array<i32: 0>} : vector<16xi32>
    %scan3A = arith.constant 0 : i32
    %scan3A_1 = arith.constant 0 : i32
    %scan3A_2 = arith.constant 384 : i32
    %scan3A_3 = arith.addi %scan3A_1, %scan3A_2 : i32
    %scan3A_4 = arith.constant 1 : i32
    %scan3A_5 = scf.for %scan3A_25 = %scan3A_1 to %scan3A_3 step %scan3A_4 iter_args(%scan3A_26 = %scan3A) -> (i32)  : i32 {
      %mul3A_27 = arith.constant 16 : i32
      %mul3A_28 = arith.muli %scan3A_25, %mul3A_27 : i32
      %broadcast_in_dim3A_29 = arith.constant 2048 : i32
      %broadcast_in_dim3A_30 = vector.broadcast %broadcast_in_dim3A_29 : i32 to vector<16xi32>
      %swap3A_31 = arith.index_cast %mul3A_28 : i32 to index
      %swap3A_32 = tpu.vector_load %arg8[%swap3A_31] {strides = array<i32>} : memref<6144xi32, #tpu.memory_space<vmem>>, vector<16xi32>,
      tpu.vector_store %arg8[%swap3A_31], %broadcast_in_dim3A_30 {strides = array<i32>} : memref<6144xi32, #tpu.memory_space<vmem>>, vector<16xi32>,
      %broadcast_in_dim3A_33 = arith.constant 0.000000e+00 : f32
      %broadcast_in_dim3A_34 = vector.broadcast %broadcast_in_dim3A_33 : f32 to vector<16xf32>
      %swap3A_35 = arith.index_cast %mul3A_28 : i32 to index
      %swap3A_36 = tpu.vector_load %arg9[%swap3A_35] {strides = array<i32>} : memref<6144xf32, #tpu.memory_space<vmem>>, vector<16xf32>,
      tpu.vector_store %arg9[%swap3A_35], %broadcast_in_dim3A_34 {strides = array<i32>} : memref<6144xf32, #tpu.memory_space<vmem>>, vector<16xf32>,
      %broadcast_in_dim3A_37 = arith.constant 16384 : i32
      %broadcast_in_dim3A_38 = vector.broadcast %broadcast_in_dim3A_37 : i32 to vector<16xi32>
      %swap3A_39 = arith.index_cast %mul3A_28 : i32 to index
      %swap3A_40 = tpu.vector_load %arg10[%swap3A_39] {strides = array<i32>} : memref<6144xi32, #tpu.memory_space<vmem>>, vector<16xi32>,
      tpu.vector_store %arg10[%swap3A_39], %broadcast_in_dim3A_38 {strides = array<i32>} : memref<6144xi32, #tpu.memory_space<vmem>>, vector<16xi32>,
      %scan3A_41 = arith.constant 0 : i32
      scf.yield %scan3A_41 : i32
    }
    %scan3A_6 = arith.constant 384 : i32
    %broadcast_in_dim3A = arith.constant 3072 : i32
    %broadcast_in_dim3A_7 = vector.broadcast %broadcast_in_dim3A : i32 to vector<16xi32>
    %broadcast_in_dim3A_8 = arith.constant 0 : i32
    %broadcast_in_dim3A_9 = vector.broadcast %broadcast_in_dim3A_8 : i32 to vector<16xi32>
    %scan3A_10 = arith.constant 0 : i32
    %scan3A_11 = arith.constant 64 : i32
    %scan3A_12 = arith.addi %scan3A_10, %scan3A_11 : i32
    %scan3A_13 = arith.constant 1 : i32
    %scan3A_14:2 = scf.for %scan3A_25 = %scan3A_10 to %scan3A_12 step %scan3A_13 iter_args(%scan3A_26 = %broadcast_in_dim3A_9, %scan3A_27 = %broadcast_in_dim3A_7) -> (vector<16xi32>, vector<16xi32>)  : i32 {
      %mul3A_28 = arith.constant 64 : i32
      %mul3A_29 = arith.muli %add3A, %mul3A_28 : i32
      %add3A_30 = arith.addi %mul3A_29, %scan3A_25 : i32
      "tpu.region"() ({
        %run_scoped3A = tpu.sem_alloc : memref<!tpu.dma_semaphore, #tpu.memory_space<semaphore_mem>>
        %dma_start3A = arith.constant 0 : i32
        %dma_start3A_37 = tpu.memref_slice %arg2[%add3A_30, %dma_start3A] : memref<2048x2048xf32, #tpu.memory_space<hbm>> -> memref<1x2048xf32, #tpu.memory_space<hbm>>
        %dma_start3A_38 = tpu.memref_squeeze %dma_start3A_37 : memref<1x2048xf32, #tpu.memory_space<hbm>> -> memref<2048xf32, #tpu.memory_space<hbm>>
        %dma_start3A_39 = arith.constant 0 : i32
        %dma_start3A_40 = tpu.memref_slice %arg2[%add3A_30, %dma_start3A_39] : memref<2048x2048xf32, #tpu.memory_space<hbm>> -> memref<1x2048xf32, #tpu.memory_space<hbm>>
        %dma_start3A_41 = tpu.memref_squeeze %dma_start3A_40 : memref<1x2048xf32, #tpu.memory_space<hbm>> -> memref<2048xf32, #tpu.memory_space<hbm>>
        tpu.enqueue_dma source(%dma_start3A_41 : memref<2048xf32, #tpu.memory_space<hbm>>) target(%arg7 : memref<2048xf32, #tpu.memory_space<vmem>>) target_semaphore(%run_scoped3A : memref<!tpu.dma_semaphore, #tpu.memory_space<semaphore_mem>>)
        %dma_wait3A = arith.constant 0 : i32
        %dma_wait3A_42 = tpu.memref_slice %arg2[%add3A_30, %dma_wait3A] : memref<2048x2048xf32, #tpu.memory_space<hbm>> -> memref<1x2048xf32, #tpu.memory_space<hbm>>
        %dma_wait3A_43 = tpu.memref_squeeze %dma_wait3A_42 : memref<1x2048xf32, #tpu.memory_space<hbm>> -> memref<2048xf32, #tpu.memory_space<hbm>>
        %dma_wait3A_44 = arith.constant 0 : i32
        %dma_wait3A_45 = tpu.memref_slice %arg2[%add3A_30, %dma_wait3A_44] : memref<2048x2048xf32, #tpu.memory_space<hbm>> -> memref<1x2048xf32, #tpu.memory_space<hbm>>
        %dma_wait3A_46 = tpu.memref_squeeze %dma_wait3A_45 : memref<1x2048xf32, #tpu.memory_space<hbm>> -> memref<2048xf32, #tpu.memory_space<hbm>>
        tpu.wait_dma2 semaphore(%run_scoped3A : memref<!tpu.dma_semaphore, #tpu.memory_space<semaphore_mem>>) src(%dma_wait3A_46 : memref<2048xf32, #tpu.memory_space<hbm>>) dst(%arg7 : memref<2048xf32, #tpu.memory_space<vmem>>)
        tpu.yield
      }) : () -> ()
      %scan3A_31 = arith.constant 0 : i32
      %scan3A_32 = arith.constant 64 : i32
      %scan3A_33 = arith.addi %scan3A_31, %scan3A_32 : i32
      %scan3A_34 = arith.constant 1 : i32
      %scan3A_35:2 = scf.for %scan3A_37 = %scan3A_31 to %scan3A_33 step %scan3A_34 iter_args(%scan3A_38 = %scan3A_26, %scan3A_39 = %scan3A_27) -> (vector<16xi32>, vector<16xi32>)  : i32 {
        %mul3A_40 = arith.constant 16 : i32
        %mul3A_41 = arith.muli %scan3A_37, %mul3A_40 : i32
        %get3A = arith.index_cast %mul3A_41 : i32 to index
        %get3A_42 = tpu.vector_load %arg7[%get3A] {strides = array<i32>} : memref<2048xf32, #tpu.memory_space<vmem>>, vector<16xf32>,
        %add3A_43 = arith.constant 64 : i32
        %add3A_44 = arith.addi %scan3A_37, %add3A_43 : i32
        %mul3A_45 = arith.constant 16 : i32
        %mul3A_46 = arith.muli %add3A_44, %mul3A_45 : i32
        %get3A_47 = arith.index_cast %mul3A_46 : i32 to index
        %get3A_48 = tpu.vector_load %arg7[%get3A_47] {strides = array<i32>} : memref<2048xf32, #tpu.memory_space<vmem>>, vector<16xf32>,
        %mul3A_49 = arith.constant 16 : i32
        %mul3A_50 = arith.muli %scan3A_37, %mul3A_49 : i32
        %add3A_51 = vector.broadcast %mul3A_50 : i32 to vector<16xi32>
        %add3A_52 = arith.addi %iota3A, %add3A_51 : vector<16xi32>
        %add3A_53 = arith.constant 64 : i32
        %add3A_54 = arith.addi %scan3A_37, %add3A_53 : i32
        %mul3A_55 = arith.constant 16 : i32
        %mul3A_56 = arith.muli %add3A_54, %mul3A_55 : i32
        %add3A_57 = vector.broadcast %mul3A_56 : i32 to vector<16xi32>
        %add3A_58 = arith.addi %iota3A, %add3A_57 : vector<16xi32>
        %lt3A_59 = arith.constant 2.500000e+01 : f32
        %lt3A_60 = vector.broadcast %lt3A_59 : f32 to vector<16xf32>
        %lt3A_61 = arith.cmpf olt, %get3A_42, %lt3A_60 : vector<16xf32>
        %ne3A = vector.broadcast %add3A_30 : i32 to vector<16xi32>
        %ne3A_62 = arith.cmpi ne, %add3A_52, %ne3A : vector<16xi32>
        %and3A = arith.andi %lt3A_61, %ne3A_62 : vector<16xi1>
        %lt3A_63 = arith.constant 2.500000e+01 : f32
        %lt3A_64 = vector.broadcast %lt3A_63 : f32 to vector<16xf32>
        %lt3A_65 = arith.cmpf olt, %get3A_48, %lt3A_64 : vector<16xf32>
        %ne3A_66 = vector.broadcast %add3A_30 : i32 to vector<16xi32>
        %ne3A_67 = arith.cmpi ne, %add3A_58, %ne3A_66 : vector<16xi32>
        %and3A_68 = arith.andi %lt3A_65, %ne3A_67 : vector<16xi1>
        %convert_element_type3A = arith.extui %and3A : vector<16xi1> to vector<16xi32>
        %broadcast_in_dim3A_69 = arith.constant true
        %broadcast_in_dim3A_70 = vector.broadcast %broadcast_in_dim3A_69 : i1 to vector<16xi1>
        %masked_cumsum3A = tpu.scan <sum>, %convert_element_type3A masked %broadcast_in_dim3A_70 : vector<16xi32>, vector<16xi1> -> vector<16xi32>
        %add3A_71 = arith.addi %scan3A_38, %masked_cumsum3A : vector<16xi32>
        %sub3A_72 = arith.constant 1 : i32
        %sub3A_73 = vector.broadcast %sub3A_72 : i32 to vector<16xi32>
        %sub3A_74 = arith.subi %add3A_71, %sub3A_73 : vector<16xi32>
        %convert_element_type3A_75 = arith.extui %and3A_68 : vector<16xi1> to vector<16xi32>
        %broadcast_in_dim3A_76 = arith.constant true
        %broadcast_in_dim3A_77 = vector.broadcast %broadcast_in_dim3A_76 : i1 to vector<16xi1>
        %masked_cumsum3A_78 = tpu.scan <sum>, %convert_element_type3A_75 masked %broadcast_in_dim3A_77 : vector<16xi32>, vector<16xi1> -> vector<16xi32>
        %add3A_79 = arith.addi %scan3A_39, %masked_cumsum3A_78 : vector<16xi32>
        %sub3A_80 = arith.constant 1 : i32
        %sub3A_81 = vector.broadcast %sub3A_80 : i32 to vector<16xi32>
        %sub3A_82 = arith.subi %add3A_79, %sub3A_81 : vector<16xi32>
        %mul3A_83 = arith.constant 256 : i32
        %mul3A_84 = arith.muli %scan3A_25, %mul3A_83 : i32
        %broadcast_in_dim3A_85 = vector.broadcast %mul3A_84 : i32 to vector<16xi32>
        tpu.vector_store_idx %arg8[%sub3A_74], %add3A_52 masked %and3A : memref<6144xi32, #tpu.memory_space<vmem>>[vector<16xi32>], vector<16xi32>, vector<16xi1>
        tpu.vector_store_idx %arg8[%sub3A_82], %add3A_58 masked %and3A_68 : memref<6144xi32, #tpu.memory_space<vmem>>[vector<16xi32>], vector<16xi32>, vector<16xi1>
        tpu.vector_store_idx %arg9[%sub3A_74], %get3A_42 masked %and3A : memref<6144xf32, #tpu.memory_space<vmem>>[vector<16xi32>], vector<16xf32>, vector<16xi1>
        tpu.vector_store_idx %arg9[%sub3A_82], %get3A_48 masked %and3A_68 : memref<6144xf32, #tpu.memory_space<vmem>>[vector<16xi32>], vector<16xf32>, vector<16xi1>
        tpu.vector_store_idx %arg10[%sub3A_74], %broadcast_in_dim3A_85 masked %and3A : memref<6144xi32, #tpu.memory_space<vmem>>[vector<16xi32>], vector<16xi32>, vector<16xi1>
        tpu.vector_store_idx %arg10[%sub3A_82], %broadcast_in_dim3A_85 masked %and3A_68 : memref<6144xi32, #tpu.memory_space<vmem>>[vector<16xi32>], vector<16xi32>, vector<16xi1>
        %all_reduce_population_count3A = tpu.all_reduce %and3A {dim = 0 : i64, kind = #tpu.reduction_kind<sum>} : vector<16xi1> -> vector<16xi32>
        %add3A_86 = arith.addi %scan3A_38, %all_reduce_population_count3A : vector<16xi32>
        %all_reduce_population_count3A_87 = tpu.all_reduce %and3A_68 {dim = 0 : i64, kind = #tpu.reduction_kind<sum>} : vector<16xi1> -> vector<16xi32>
        %add3A_88 = arith.addi %scan3A_39, %all_reduce_population_count3A_87 : vector<16xi32>
        scf.yield %add3A_86, %add3A_88 : vector<16xi32>, vector<16xi32>
      }
      %scan3A_36 = arith.constant 64 : i32
      scf.yield %scan3A_35#0, %scan3A_35#1 : vector<16xi32>, vector<16xi32>
    }
    %scan3A_15 = arith.constant 64 : i32
    %mul3A_16 = arith.constant 6144 : i32
    %mul3A_17 = arith.muli %add3A, %mul3A_16 : i32
    "tpu.region"() ({
      %run_scoped3A = tpu.sem_alloc : memref<!tpu.dma_semaphore, #tpu.memory_space<semaphore_mem>>
      %dma_start3A = tpu.memref_slice %arg3[%mul3A_17] : memref<196608xi32, #tpu.memory_space<hbm>> -> memref<6144xi32, #tpu.memory_space<hbm>>
      %dma_start3A_25 = tpu.memref_slice %arg3[%mul3A_17] : memref<196608xi32, #tpu.memory_space<hbm>> -> memref<6144xi32, #tpu.memory_space<hbm>>
      tpu.enqueue_dma source(%arg8 : memref<6144xi32, #tpu.memory_space<vmem>>) target(%dma_start3A_25 : memref<6144xi32, #tpu.memory_space<hbm>>) target_semaphore(%run_scoped3A : memref<!tpu.dma_semaphore, #tpu.memory_space<semaphore_mem>>)
      %dma_wait3A = tpu.memref_slice %arg3[%mul3A_17] : memref<196608xi32, #tpu.memory_space<hbm>> -> memref<6144xi32, #tpu.memory_space<hbm>>
      %dma_wait3A_26 = tpu.memref_slice %arg3[%mul3A_17] : memref<196608xi32, #tpu.memory_space<hbm>> -> memref<6144xi32, #tpu.memory_space<hbm>>
      tpu.wait_dma2 semaphore(%run_scoped3A : memref<!tpu.dma_semaphore, #tpu.memory_space<semaphore_mem>>) src(%arg8 : memref<6144xi32, #tpu.memory_space<vmem>>) dst(%dma_wait3A_26 : memref<6144xi32, #tpu.memory_space<hbm>>)
      tpu.yield
    }) : () -> ()
    "tpu.region"() ({
      %run_scoped3A = tpu.sem_alloc : memref<!tpu.dma_semaphore, #tpu.memory_space<semaphore_mem>>
      %dma_start3A = tpu.memref_slice %arg4[%mul3A_17] : memref<196608xf32, #tpu.memory_space<hbm>> -> memref<6144xf32, #tpu.memory_space<hbm>>
      %dma_start3A_25 = tpu.memref_slice %arg4[%mul3A_17] : memref<196608xf32, #tpu.memory_space<hbm>> -> memref<6144xf32, #tpu.memory_space<hbm>>
      tpu.enqueue_dma source(%arg9 : memref<6144xf32, #tpu.memory_space<vmem>>) target(%dma_start3A_25 : memref<6144xf32, #tpu.memory_space<hbm>>) target_semaphore(%run_scoped3A : memref<!tpu.dma_semaphore, #tpu.memory_space<semaphore_mem>>)
      %dma_wait3A = tpu.memref_slice %arg4[%mul3A_17] : memref<196608xf32, #tpu.memory_space<hbm>> -> memref<6144xf32, #tpu.memory_space<hbm>>
      %dma_wait3A_26 = tpu.memref_slice %arg4[%mul3A_17] : memref<196608xf32, #tpu.memory_space<hbm>> -> memref<6144xf32, #tpu.memory_space<hbm>>
      tpu.wait_dma2 semaphore(%run_scoped3A : memref<!tpu.dma_semaphore, #tpu.memory_space<semaphore_mem>>) src(%arg9 : memref<6144xf32, #tpu.memory_space<vmem>>) dst(%dma_wait3A_26 : memref<6144xf32, #tpu.memory_space<hbm>>)
      tpu.yield
    }) : () -> ()
    "tpu.region"() ({
      %run_scoped3A = tpu.sem_alloc : memref<!tpu.dma_semaphore, #tpu.memory_space<semaphore_mem>>
      %dma_start3A = tpu.memref_slice %arg5[%mul3A_17] : memref<196608xi32, #tpu.memory_space<hbm>> -> memref<6144xi32, #tpu.memory_space<hbm>>
      %dma_start3A_25 = tpu.memref_slice %arg5[%mul3A_17] : memref<196608xi32, #tpu.memory_space<hbm>> -> memref<6144xi32, #tpu.memory_space<hbm>>
      tpu.enqueue_dma source(%arg10 : memref<6144xi32, #tpu.memory_space<vmem>>) target(%dma_start3A_25 : memref<6144xi32, #tpu.memory_space<hbm>>) target_semaphore(%run_scoped3A : memref<!tpu.dma_semaphore, #tpu.memory_space<semaphore_mem>>)
      %dma_wait3A = tpu.memref_slice %arg5[%mul3A_17] : memref<196608xi32, #tpu.memory_space<hbm>> -> memref<6144xi32, #tpu.memory_space<hbm>>
      %dma_wait3A_26 = tpu.memref_slice %arg5[%mul3A_17] : memref<196608xi32, #tpu.memory_space<hbm>> -> memref<6144xi32, #tpu.memory_space<hbm>>
      tpu.wait_dma2 semaphore(%run_scoped3A : memref<!tpu.dma_semaphore, #tpu.memory_space<semaphore_mem>>) src(%arg10 : memref<6144xi32, #tpu.memory_space<vmem>>) dst(%dma_wait3A_26 : memref<6144xi32, #tpu.memory_space<hbm>>)
      tpu.yield
    }) : () -> ()
    %lt3A = arith.constant 8 : i32
    %lt3A_18 = vector.broadcast %lt3A : i32 to vector<16xi32>
    %lt3A_19 = arith.cmpi slt, %iota3A, %lt3A_18 : vector<16xi32>
    %sub3A = arith.constant 3072 : i32
    %sub3A_20 = vector.broadcast %sub3A : i32 to vector<16xi32>
    %sub3A_21 = arith.subi %scan3A_14#1, %sub3A_20 : vector<16xi32>
    %select_n3A = arith.select %lt3A_19, %scan3A_14#0, %sub3A_21 : vector<16xi1>, vector<16xi32>
    %swap3A = arith.constant 0 : index
    %swap3A_22 = tpu.vector_load %arg11[%swap3A] {strides = array<i32>} : memref<16xi32, #tpu.memory_space<vmem>>, vector<16xi32>,
    tpu.vector_store %arg11[%swap3A], %select_n3A {strides = array<i32>} : memref<16xi32, #tpu.memory_space<vmem>>, vector<16xi32>,
    %mul3A_23 = arith.constant 16 : i32
    %mul3A_24 = arith.muli %add3A, %mul3A_23 : i32
    "tpu.region"() ({
      %run_scoped3A = tpu.sem_alloc : memref<!tpu.dma_semaphore, #tpu.memory_space<semaphore_mem>>
      %dma_start3A = tpu.memref_slice %arg6[%mul3A_24] : memref<512xi32, #tpu.memory_space<hbm>> -> memref<16xi32, #tpu.memory_space<hbm>>
      %dma_start3A_25 = tpu.memref_slice %arg6[%mul3A_24] : memref<512xi32, #tpu.memory_space<hbm>> -> memref<16xi32, #tpu.memory_space<hbm>>
      tpu.enqueue_dma source(%arg11 : memref<16xi32, #tpu.memory_space<vmem>>) target(%dma_start3A_25 : memref<16xi32, #tpu.memory_space<hbm>>) target_semaphore(%run_scoped3A : memref<!tpu.dma_semaphore, #tpu.memory_space<semaphore_mem>>)
      %dma_wait3A = tpu.memref_slice %arg6[%mul3A_24] : memref<512xi32, #tpu.memory_space<hbm>> -> memref<16xi32, #tpu.memory_space<hbm>>
      %dma_wait3A_26 = tpu.memref_slice %arg6[%mul3A_24] : memref<512xi32, #tpu.memory_space<hbm>> -> memref<16xi32, #tpu.memory_space<hbm>>
      tpu.wait_dma2 semaphore(%run_scoped3A : memref<!tpu.dma_semaphore, #tpu.memory_space<semaphore_mem>>) src(%arg11 : memref<16xi32, #tpu.memory_space<vmem>>) dst(%dma_wait3A_26 : memref<16xi32, #tpu.memory_space<hbm>>)
      tpu.yield
    }) : () -> ()
    return
  }
}

</mosaic_0001>

<sc_bundles>
// kernel: _build_nbr.3.cloned.1.call-start
scs
__scs_entry_jumppad:
0x0: {  	(pc) =	sbr.rel $0x88, $3  }
0x1: {  	(tag) =	ssettag $0x0;
	lr =	simm.s32 $0x1  }
0x2: {  	[smem:$0x3FA0] =	sst lr;
	_ =	strace $0xD0000000  }
0x3: {  	_ = 	snop  }
0x4: {  	_ = 	snop  }
0x5: {  	_ = 	snop  }
0x6: {  	_ = 	snop  }
0x7: {  	_ = 	snop  }
__scs_overlays_trampoline_lowered:
0x8: {  	[smem:$0x3FAF] =	sst s0  }
0x9: {  	[smem:$0x3FB0] =	sst s1  }
0xa: {  	[smem:$0x3FB1] =	sst s2  }
0xb: {  	[smem:$0x3FB2] =	sst s3  }
0xc: {  	[smem:$0x3FB3] =	sst s4  }
0xd: {  	[smem:$0x3FB4] =	sst s5  }
0xe: {  	[smem:$0x3FB5] =	sst s6  }
0xf: {  	[smem:$0x3FB6] =	sst s7  }
0x10: {  	[smem:$0x3FB7] =	sst s8  }
0x11: {  	[smem:$0x3FB8] =	sst s9;
	s0 =	simm.s32 @!p0 $0x0  }
0x12: {  	s1 =	sld [smem:$0x3F9E];
	s0 =	simm.s32 @p0 $0x1  }
0x13: {  	[smem:$0x3FB9] =	sst s0;
	s0 =	simm.s32 @!p1 $0x0  }
0x14: {  	s2 =	sld [smem:$0x3F9D];
	s0 =	simm.s32 @p1 $0x1  }
0x15: {  	[smem:$0x3FBA] =	sst s0;
	s0 =	simm.s32 @!p2 $0x0  }
0x16: {  	s3 =	sld [smem:$0x3FDB];
	s0 =	simm.s32 @p2 $0x1  }
0x17: {  	s4 =	simm.s32 $0x1BF5;
	[smem:$0x3FBC] =	sst s0  }
0x18: {  	s0 =	sld [smem:$0x3F9F];
	_ =	swait.ge [sflag:s4], $0x0  }
0x19: {  	s7 =	sld [smem:$0x3FA0]  }
0x1a: {  	s8 =	sadd.s32 $0xFFFFE003, lr  }
0x1b: {  	s9 =	sadd.s32 $0xFFFFFEF7, lr;
	s5 =	simm.s32 $0xFFFFFFFF;
	p2 =	slt.u32 s8, $0xFFFFF086  }
0x1c: {  	p1 =	slt.u32 s9, $0xF7A;
	s5 =	simm.s32 @!p2 $0x0  }
0x1d: {  	s5 =	simm.s32 @p1 $0x1;
	p0 =	seq.s32 s7, s2  }
0x1e: {  	s7 =	smul.u32 @!p0 $0xF7A, s2;
	p2 =	seq.s32 @!p0 s5, $0x0  }
0x1f: {  	s9 =	smul.u32 $0xF7A, s1;
	s8 =	simm.s32 @!p0 $0x1BF5;
	p2 =	por !p2, p0  }
0x20: {  	[sflag:s8] =	ssyncset.s32 @!p0 $0xFFFFF086;
	s6 =	sadd.s32 @!p0 s3, s7;
	s7 =	simm.s32 @!p0 $0x108  }
0x21: {  	s3 =	sadd.s32 s3, s9;
	s6 =	sadd.s32 @!p0 $0x88, s6;
	s7 =	simm.s32 @p2 $0x1082  }
0x22: {  	[simem:s7], [sflag:s8] =	dma.local @!p0 [hbm:s6], $0xF7A  }
0x23: {  	s9 =	sor.u32 $0xD0000000, s2;
	s6 =	simm.s32 $0x108;
	_ =	swait.ge @!p0 [sflag:s8], $0x0  }
0x24: {  	s3 =	sadd.s32 $0x88, s3;
	s6 =	simm.s32 @!p1 $0x1082;
	[sflag:s4] =	ssyncset.s32 $0xFFFFF086  }
0x25: {  	[simem:s6], [sflag:s4] =	dma.local [hbm:s3], $0xF7A  }
0x26: {  	[smem:$0x3FA0] =	sst s1;
	(tag) =	ssettag s2;
	_ =	strace s9  }
0x27: {  	s1 =	sld [smem:$0x3FB0]  }
0x28: {  	s2 =	sld [smem:$0x3FB1]  }
0x29: {  	s4 =	sld [smem:$0x3FB3]  }
0x2a: {  	p0 =	seq.s32 s5, $0x0;
	s5 =	sld [smem:$0x3FB4]  }
0x2b: {  	s6 =	sld [smem:$0x3FB5]  }
0x2c: {  	s7 =	sld [smem:$0x3FB6]  }
0x2d: {  	s3 =	simm.s32 $0x108;
	s8 =	sld [smem:$0x3FB7]  }
0x2e: {  	s3 =	simm.s32 @!p0 $0x1082;
	s9 =	sld [smem:$0x3FB8]  }
0x2f: {  	lr =	sadd.s32 s0, s3;
	s0 =	sld [smem:$0x3FAF]  }
0x30: {  	s3 =	sld [smem:$0x3FB2]  }
0x31: {  	[smem:$0x3FBB] =	sst s10  }
0x32: {  	s10 =	sld [smem:$0x3FB9];
	_ =	sdelay $0x3  }
0x33: {  	p0 =	seq.s32 s10, $0x1;
	s10 =	sld [smem:$0x3FBB];
	_ =	sdelay $0x3  }
0x34: {  	[smem:$0x3FBB] =	sst s10  }
0x35: {  	s10 =	sld [smem:$0x3FBA];
	_ =	sdelay $0x3  }
0x36: {  	p1 =	seq.s32 s10, $0x1;
	s10 =	sld [smem:$0x3FBB];
	_ =	sdelay $0x3  }
0x37: {  	[smem:$0x3FBB] =	sst s10  }
0x38: {  	s10 =	sld [smem:$0x3FBC]  }
0x39: {  	_ = 	snop;
	(pc) =	sbr.ind lr, $3  }
0x3a: {  	_ = 	snop  }
0x3b: {  	_ = 	snop  }
0x3c: {  	p2 =	seq.s32 s10, $0x1;
	s10 =	sld [smem:$0x3FBB]  }
0x3d: {  	_ =	shalt  }
0x3e: {  	_ =	shalt  }
0x3f: {  	_ =	shalt  }
0x40: {  	_ =	shalt  }
0x41: {  	_ =	shalt  }
0x42: {  	_ =	shalt  }
0x43: {  	_ =	shalt  }
0x44: {  	_ =	shalt  }
0x45: {  	_ =	shalt  }
0x46: {  	_ =	shalt  }
0x47: {  	_ =	shalt  }
0x48: {  	_ =	shalt  }
0x49: {  	_ =	shalt  }
0x4a: {  	_ =	shalt  }
0x4b: {  	_ =	shalt  }
0x4c: {  	_ =	shalt  }
0x4d: {  	_ =	shalt  }
0x4e: {  	_ =	shalt  }
0x4f: {  	_ =	shalt  }
0x50: {  	_ =	shalt  }
0x51: {  	_ =	shalt  }
0x52: {  	_ =	shalt  }
0x53: {  	_ =	shalt  }
0x54: {  	_ =	shalt  }
0x55: {  	_ =	shalt  }
0x56: {  	_ =	shalt  }
0x57: {  	_ =	shalt  }
0x58: {  	_ =	shalt  }
0x59: {  	_ =	shalt  }
0x5a: {  	_ =	shalt  }
0x5b: {  	_ =	shalt  }
0x5c: {  	_ =	shalt  }
0x5d: {  	_ =	shalt  }
0x5e: {  	_ =	shalt  }
0x5f: {  	_ =	shalt  }
0x60: {  	_ =	shalt  }
0x61: {  	_ =	shalt  }
0x62: {  	_ =	shalt  }
0x63: {  	_ =	shalt  }
0x64: {  	_ =	shalt  }
0x65: {  	_ =	shalt  }
0x66: {  	_ =	shalt  }
0x67: {  	_ =	shalt  }
0x68: {  	_ =	shalt  }
0x69: {  	_ =	shalt  }
0x6a: {  	_ =	shalt  }
0x6b: {  	_ =	shalt  }
0x6c: {  	_ =	shalt  }
0x6d: {  	_ =	shalt  }
0x6e: {  	_ =	shalt  }
0x6f: {  	_ =	shalt  }
0x70: {  	_ =	shalt  }
0x71: {  	_ =	shalt  }
0x72: {  	_ =	shalt  }
0x73: {  	_ =	shalt  }
0x74: {  	_ =	shalt  }
0x75: {  	_ =	shalt  }
0x76: {  	_ =	shalt  }
0x77: {  	_ =	shalt  }
0x78: {  	_ =	shalt  }
0x79: {  	_ =	shalt  }
0x7a: {  	_ =	shalt  }
0x7b: {  	_ =	shalt  }
0x7c: {  	_ =	shalt  }
0x7d: {  	_ =	shalt  }
0x7e: {  	_ =	shalt  }
0x7f: {  	_ =	shalt  }
0x80: {  	_ =	shalt  }
0x81: {  	_ =	shalt  }
0x82: {  	_ =	shalt  }
0x83: {  	_ =	shalt  }
0x84: {  	_ =	shalt  }
0x85: {  	_ =	shalt  }
0x86: {  	_ =	shalt  }
0x87: {  	_ =	shalt  }
.Lfunc_end0:
.L_simem_size_0:
called_computation_lowered:
.L_overlay_start_0:
0x88: {  	s2 =	sld [smem:$0x3FD9]  }
0x89: {  	s3 =	sld [smem:$0x3FFE];
	_ =	sdelay $0x1  }
0x8a: {  	s1 =	srdreg.scid  }
0x8b: {  	s0 =	sand.u32 $0x1, s1  }
0x8c: {  	s15 =	sshll.u32 s0, $0xA;
	s2 =	sadd.s32 s3, s2  }
0x8d: {  	s2 =	sadd.s32 s2, s15  }
0x8e: {  	[smem:$0x3FC7] =	sst s2  }
0x8f: {  	_ = 	snop  }
0x90: {  	s2 =	sld [smem:$0x3FD0];
	_ =	sdelay $0x2  }
0x91: {  	s4 =	simm.s32 $0xA;
	s5 =	simm.s32 $0x10;
	s16 =	sld [smem:$0x3FC9]  }
0x92: {  	[smem:s5], [sflag:s4] =	dma.local [hbm:s2], $0x1  }
0x93: {  	_ =	swait.eq [sflag:s4], $0x1  }
0x94: {  	s17 =	sld [smem:$0x10]  }
0x95: {  	s18 =	sld [smem:$0x11];
	[sflag:s4] =	ssyncset.done $0x0  }
0x96: {  	s6 =	sld [smem:$0x12];
	[sflag:s4] =	ssyncadd.s32 $0xFFFFFFFF  }
0x97: {  	s19 =	sld [smem:$0x13];
	(tm) =	ssettm $0x1  }
0x98: {  	s7 =	sld [smem:$0x3FFB];
	_ =	sdelay $0x3  }
0x99: {  	_ =	strace s7  }
0x9a: {  	s7 =	sld [smem:$0x3FFC];
	_ =	sdelay $0x3  }
0x9b: {  	_ =	strace s7  }
0x9c: {  	s7 =	sld [smem:$0x3FFD];
	_ =	sdelay $0x3  }
0x9d: {  	_ =	strace s7  }
0x9e: {  	_ =	strace $0x8FFFFFFF  }
0x9f: {  	s20 =	sld [smem:$0x3FDB];
	_ =	sdelay $0x1  }
0xa0: {  	s8 =	simm.s32 $_scs_section_size  }
0xa1: {  	s9 =	simm.s32 $_size__tile_overlayer_lowered;
	s10 =	simm.s32 $_tile_overlayer_lowered  }
0xa2: {  	s23 =	simm.s32 $0x1BFF;
	s22 =	sshll.u32 s10, $0x1;
	s7 =	sadd.s32 s8, s20  }
0xa3: {  	s11 =	simm.s32 $0x0;
	s21 =	sshll.u32 s9, $0x1;
	s9 =	sadd.s32 s22, s7  }
0xa4: {  	[timem:s11], [sflag:s23] =	dma.local [hbm:s9], s21  }
0xa5: {  	_ =	swait.ge [sflag:s23], s21  }
0xa6: {  	s8 =	ssub.s32 $0x0, s21;
	[sflag:s23] =	ssyncset.done $0x0  }
0xa7: {  	[sflag:s23] =	ssyncadd.s32 s8;
	_ =	sdelay $0x1  }
0xa8: {  	s24 =	simm.s32 $0x1B8B  }
0xa9: {  	_ =	swait.ge [sflag:s24], $0x1  }
0xaa: {  	[sflag:s24] =	ssyncset.done $0x0  }
0xab: {  	s25 =	simm.s32 $0x1B8E;
	[sflag:s24] =	ssyncadd.s32 $0xFFFFFFFF  }
0xac: {  	s26 =	simm.s32 $execute0_lowered;
	[smem:$0x3FD2] =	sst s25  }
0xad: {  	s8 =	sshll.u32 s26, $0x1;
	_ =	strace $0x80000046;
	[dreg:$0x1] =	wrdreg $0xFFFFFFFF  }
0xae: {  	s28 =	simm.s32 $_size_execute0_lowered;
	s7 =	sadd.s32 s7, s8;
	[dreg:$0x0] =	wrdreg $0x0  }
0xaf: {  	s8 =	sshll.u32 s28, $0x1;
	[dreg:$0x2] =	wrdreg s7  }
0xb0: {  	[dreg:$0x3] =	wrdreg s8  }
0xb1: {  	[dreg:$0x4] =	wrdreg $0xC0  }
0xb2: {  	_ =	task [dreg:s11], $0x5FFFF  }
0xb3: {  	[dreg:$0x1] =	wrdreg $0xFFFFFFFF  }
0xb4: {  	[dreg:$0x0] =	wrdreg $0x60  }
0xb5: {  	[dreg:$0x2] =	wrdreg s16  }
0xb6: {  	[dreg:$0x3] =	wrdreg s17  }
0xb7: {  	[dreg:$0x4] =	wrdreg s18  }
0xb8: {  	[dreg:$0x5] =	wrdreg s6  }
0xb9: {  	[dreg:$0x6] =	wrdreg s19  }
0xba: {  	[dreg:$0x7] =	wrdreg $0x9  }
0xbb: {  	_ =	task.clear_ibuf [dreg:s11], $0x8FFFF;
	_ =	strace $0x90000046  }
0xbc: {  	s29 =	simm.s32 $0x9;
	_ =	strace $0x80000048  }
0xbd: {  	_ =	swait.ge [sflag:s29], $0x1  }
0xbe: {  	[sflag:s29] =	ssyncadd.s32 $0xFFFFFFFF  }
0xbf: {  	_ =	strace $0x90000048  }
0xc0: {  	_ =	sfence  }
0xc1: {  	s30 =	sld [smem:$0x0];
	_ =	sdelay $0x2  }
0xc2: {  	s31 =	sshll.u32 s1, $0xD;
	s1 =	sshrl.u32 s1, $0x2  }
0xc3: {  	s3 =	sand.u32 $0x4000, s31;
	s1 =	sadd.s32 s1, s30  }
0xc4: {  	s0 =	sor.u32 s3, s0;
	s1 =	sshll.u32 s1, $0x11  }
0xc5: {  	s0 =	sor.u32 s1, s0  }
0xc6: {  	s0 =	sadd.s32 $0x8F2B, s0  }
0xc7: {  	[sflag:s0] =	ssyncadd.remote.s32 $0x1  }
0xc8: {  	_ =	sfence.sel $0xFFFF  }
0xc9: {  	[dreg:$0x0] =	wrdreg $0xFFFFFFFF;
	(pc) =	sbr.abs _section_cstart, $3  }
0xca: {  	[dreg:$0x1] =	wrdreg $0xFFFFFFFF  }
0xcb: {  	_ =	task.clear_ibuf [dreg:s11], $0x2FFFF;
	_ =	strace $0x9FFFFFFF  }
0xcc: {  	(tm) =	ssettm $0x7FFFFFFF  }
0xcd: {  	_ =	shalt  }
tec
execute0_lowered:
.L_overlay_start_1:
0x0: {  	(tag) =	ssettag $0x1  }
0x1: {  	s0 =	rddreg [dreg:$0x0]  }
0x2: {  	s5 =	rddreg [dreg:$0x1]  }
0x3: {  	s6 =	rddreg [dreg:$0x2]  }
0x4: {  	s7 =	rddreg [dreg:$0x3]  }
0x5: {  	s8 =	rddreg [dreg:$0x4];
	s3 =	srdreg.scid  }
0x6: {  	s2 =	stileid.u32;
	s1 =	rddreg [dreg:$0x5];
	s12 =	simm.s32 $0x1  }
0x7: {  	s13 =	simm.s32 $0x800;
	s14 =	simm.s32 $0x2000;
	s15 =	simm.s32 $0x3800  }
0x8: {  	s16 =	simm.s32 $0x5000;
	s17 =	simm.s32 $0x0;
	s4 =	sand.u32 $0x1, s3  }
0x9: {  	s9 =	sshll.u32 s2, $0x1;
	s3 =	simm.s32 $0x0;
	s10 =	ssub.s32 $0x2, s4  }
0xa: {  	s9 =	sor.u32 s4, s9;
	[smem:$0x7FF] =	sst s3;
	s31 =	sshrl.u32 s10, $0x1  }
0xb: {  	s11 =	smul.u32 $0x300, s9;
	s4 =	sshll.u32 s9, $0x6;
	s9 =	sshll.u32 s9, $0x1  }
0xc: {  	_ =	strace $0x80000047;
	s10 =	ssub.s32 s10, s31;
	s8 =	sadd.s32 s8, s9  }
0xd: {  	v0 =	vimm.s32 $0x800;
	v1 =	vimm.f32 $0.0e+00;
	v2 =	vimm.s32 $0x4000;
	s5 =	sadd.s32 s5, s11;
	s6 =	sadd.s32 s6, s11;
	s7 =	sadd.s32 s7, s11  }
0xe: {  	v3 =	vlaneseq.u32;
	v4 =	vimm.s32 $0x0;
	vm0 =	vmmov $0xff;
	s9 =	smax.u32 s10, $0x1;
	s10 =	simm.s32 $0x80;
	s11 =	simm.s32 $0x400  }
.LBB2_1:
0xf: {  	s18 =	simm.s32 $0x0  }
.LBB2_2:
0x10: {  	p0 =	sne.s32 s18, $0x5FC0  }
.Ltmp0:
0x11: {  	_ = 	snop;
	(pc) =	sbr.rel @p0 .LBB2_2-.Ltmp0, $4  }
0x12: {  	s19 =	sshra.s32 s18, $0x2  }
0x13: {  	[tilespmem:s19+$0x800] =	vst v0  }
0x14: {  	[tilespmem:s19+$0x2000] =	vst v1  }
0x15: {  	s18 =	sadd.s32 $0x40, s18;
	[tilespmem:s19+$0x3800] =	vst v2  }
0x16: {  	s18 =	simm.s32 $0x0;
	v7 =	vimm.s32 $0x0;
	v8 =	vimm.s32 $0xC00;
	s19 =	simm.s32 $0x0  }
.LBB2_4:
0x17: {  	s20 =	sadd.s32 s4, s19;
	s21 =	sshll.u32 s19, $0x4  }
0x18: {  	s22 =	sshll.u32 s20, $0x8;
	s21 =	sand.u32 $0x70, s21  }
0x19: {  	s22 =	sand.u32 $0xFFFF800, s22;
	s21 =	sadd.s32 s0, s21  }
0x1a: {  	s21 =	sadd.s32 s22, s21  }
0x1b: {  	[tilespmem:s18], [sflag:$0x1] =	stream.strided.gather [hbm4b:s21+s10], $0x800, s11, s10, $0x38;
	[tilespmem:$0x5080] =	vst v63  }
0x1c: {  	_ =	swait.ge [sflag:s12], $0x800  }
0x1d: {  	s29 =	simm.s32 $0x400;
	[sflag:s12] =	ssyncset.done $0x0  }
0x1e: {  	s30 =	sand.u32 $0x70, s18;
	s23 =	sand.u32 $0x780, s29;
	[sflag:s12] =	ssyncadd.s32 $0xFFFFF800  }
0x1f: {  	s22 =	sor.u32 s30, s23;
	v6 =	vld [tilespmem:s18+$0x0]  }
0x20: {  	v9 =	vld [tilespmem:s22+$0x0];
	_ =	sdelay $0x2  }
0x21: {  	v10 =	vor.u32 s18, v3;
	v5 =	vmov s20  }
0x22: {  	v12 =	vor.u32 s29, v3;
	vm2 =	vne.s32 v10, v5;
	vm1 =	vlt.f32 v6, $2.500000000e+01  }
0x23: {  	vm3 =	vne.s32 v12, v5;
	vm2 =	vmand vm2, vm1;
	vm1 =	vlt.f32 v9, $2.500000000e+01  }
0x24: {  	vm1 =	vmand vm3, vm1;
	v11 =	vsel vm2, $0x1, v4  }
0x25: {  	v13 =	vsel vm1, $0x1, v4;
	(xrf0) =	vadd.scan.msk.s32 $0xffff, v11  }
0x26: {  	(xrf0) =	vadd.scan.msk.s32 $0xffff, v13;
	_ =	sdelay $0x4  }
0x27: {  	v11, _, _ =	vpop (xrf0)  }
0x28: {  	v11 =	vadd.s32 v11, v7;
	v13, _, _ =	vpop (xrf0)  }
0x29: {  	v14 =	vadd.s32 $0xFFFFFFFF, v11;
	v11 =	vadd.s32 v13, v8  }
0x2a: {  	v11 =	vadd.s32 $0xFFFFFFFF, v11;
	_ =	sdelay $0x3  }
0x2b: {  	[tilespmem:v14+s13+$0x0] =	vst.idx.msk vm2, v10;
	v10 =	vmpcnt.ones.xlane vm2  }
0x2c: {  	v63 =	vmpcnt.ones.xlane vm1;
	[tilespmem:v11+s13+$0x0] =	vst.idx.msk vm1, v12  }
0x2d: {  	s31 =	sshll.u32 s19, $0x8;
	[tilespmem:v14+s14+$0x0] =	vst.idx.msk vm2, v6  }
0x2e: {  	s25 =	simm.s32 $0x20;
	s20 =	simm.s32 $0x10;
	v8 =	vadd.s32 v8, v63;
	v6 =	vmov s31;
	v7 =	vadd.s32 v7, v10;
	[tilespmem:v11+s14+$0x0] =	vst.idx.msk vm1, v9  }
0x2f: {  	s24 =	simm.s32 $0x410;
	s21 =	sand.u32 $0x70, s20;
	s22 =	simm.s32 $0x10;
	v9 =	vmov v8;
	[tilespmem:v14+s15+$0x0] =	vst.idx.msk vm2, v6;
	v10 =	vmov v7  }
.LBB2_5:
0x30: {  	s26 =	sand.u32 $0x70, s25  }
0x31: {  	s28 =	sand.u32 $0x780, s24;
	[tilespmem:v11+s15+$0x0] =	vst.idx.msk vm1, v6;
	s29 =	smov.u32 s25;
	s23 =	sadd.s32 $0x10, s25  }
0x32: {  	p0 =	sne.s32 s25, $0x3F0;
	v12 =	vld [tilespmem:s20+$0x0];
	s25 =	sor.u32 s21, s28;
	s21 =	smov.u32 s26  }
0x33: {  	v13 =	vld [tilespmem:s25+$0x0];
	_ =	sdelay $0x2  }
0x34: {  	v14 =	vor.u32 s22, v3;
	s22 =	smov.u32 s29  }
0x35: {  	v15 =	vor.u32 s24, v3;
	vm2 =	vne.s32 v14, v5;
	vm1 =	vlt.f32 v12, $2.500000000e+01  }
0x36: {  	vm3 =	vne.s32 v15, v5;
	vm2 =	vmand vm2, vm1;
	vm1 =	vlt.f32 v13, $2.500000000e+01  }
0x37: {  	vm1 =	vmand vm3, vm1;
	v11 =	vsel vm2, $0x1, v4;
	v16 =	vmpcnt.ones.xlane vm2  }
0x38: {  	v17 =	vsel vm1, $0x1, v4;
	v18 =	vmpcnt.ones.xlane vm1;
	(xrf0) =	vadd.scan.msk.s32 $0xffff, v11  }
0x39: {  	v7 =	vadd.s32 v7, v16;
	(xrf0) =	vadd.scan.msk.s32 $0xffff, v17  }
0x3a: {  	v8 =	vadd.s32 v8, v18;
	_ =	sdelay $0x3  }
0x3b: {  	v11, _, _ =	vpop (xrf0)  }
0x3c: {  	v11 =	vadd.s32 v11, v10;
	v16, _, _ =	vpop (xrf0);
	v10 =	vmov v7  }
0x3d: {  	v17 =	vadd.s32 $0xFFFFFFFF, v11;
	v11 =	vadd.s32 v16, v9;
	v9 =	vmov v8  }
0x3e: {  	v11 =	vadd.s32 $0xFFFFFFFF, v11;
	_ =	sdelay $0x3  }
.Ltmp1:
0x3f: {  	[tilespmem:v17+s13+$0x0] =	vst.idx.msk vm2, v14;
	(pc) =	sbr.rel @p0 .LBB2_5-.Ltmp1, $4  }
0x40: {  	[tilespmem:v11+s13+$0x0] =	vst.idx.msk vm1, v15  }
0x41: {  	[tilespmem:v17+s14+$0x0] =	vst.idx.msk vm2, v12  }
0x42: {  	[tilespmem:v11+s14+$0x0] =	vst.idx.msk vm1, v13  }
0x43: {  	s20 =	sadd.s32 $0x10, s20;
	s24 =	sadd.s32 $0x400, s22;
	s25 =	smov.u32 s23;
	[tilespmem:v17+s15+$0x0] =	vst.idx.msk vm2, v6  }
0x44: {  	_ =	sdelay $0x4  }
0x45: {  	s23 =	sand.u32 $0x780, s24;
	[tilespmem:v11+s15+$0x0] =	vst.idx.msk vm1, v6  }
0x46: {  	v11 =	vld [tilespmem:s20+$0x0];
	s31 =	sor.u32 s21, s23  }
0x47: {  	v12 =	vld [tilespmem:s31+$0x0];
	_ =	sdelay $0x2  }
0x48: {  	v13 =	vor.u32 s22, v3  }
0x49: {  	v14 =	vor.u32 s24, v3;
	vm2 =	vne.s32 v13, v5;
	vm1 =	vlt.f32 v11, $2.500000000e+01  }
0x4a: {  	vm3 =	vne.s32 v14, v5;
	vm1 =	vmand vm2, vm1;
	vm2 =	vlt.f32 v12, $2.500000000e+01  }
0x4b: {  	vm2 =	vmand vm3, vm2;
	v5 =	vsel vm1, $0x1, v4  }
0x4c: {  	v15 =	vsel vm2, $0x1, v4;
	(xrf0) =	vadd.scan.msk.s32 $0xffff, v5  }
0x4d: {  	(xrf0) =	vadd.scan.msk.s32 $0xffff, v15;
	_ =	sdelay $0x4  }
0x4e: {  	v5, _, _ =	vpop (xrf0)  }
0x4f: {  	v5 =	vadd.s32 v5, v10;
	v10, _, _ =	vpop (xrf0)  }
0x50: {  	v5 =	vadd.s32 $0xFFFFFFFF, v5;
	v9 =	vadd.s32 v10, v9  }
0x51: {  	v9 =	vadd.s32 $0xFFFFFFFF, v9;
	_ =	sdelay $0x2  }
0x52: {  	s19 =	sadd.s32 $0x1, s19  }
0x53: {  	p0 =	sne.s32 s19, $0x40;
	[tilespmem:v5+s13+$0x0] =	vst.idx.msk vm1, v13  }
.Ltmp2:
0x54: {  	[tilespmem:v9+s13+$0x0] =	vst.idx.msk vm2, v14;
	(pc) =	sbr.rel @p0 .LBB2_4-.Ltmp2, $4  }
0x55: {  	[tilespmem:v5+s14+$0x0] =	vst.idx.msk vm1, v11  }
0x56: {  	v10 =	vmpcnt.ones.xlane vm1;
	v11 =	vmpcnt.ones.xlane vm2;
	[tilespmem:v9+s14+$0x0] =	vst.idx.msk vm2, v12  }
0x57: {  	[tilespmem:v5+s15+$0x0] =	vst.idx.msk vm1, v6  }
0x58: {  	v7 =	vadd.s32 v7, v10;
	v8 =	vadd.s32 v8, v11;
	[tilespmem:v9+s15+$0x0] =	vst.idx.msk vm2, v6  }
0x59: {  	[hbm4b:s5+s3] =	stream.linear.scatter [tilespmem:s13], [sflag:$0x1], $0x1800, $0x38;
	[tilespmem:$0x5080] =	vst v63  }
0x5a: {  	_ =	swait.ge [sflag:s12], $0x1800  }
0x5b: {  	[sflag:s12] =	ssyncset.done $0x0  }
0x5c: {  	[sflag:s12] =	ssyncadd.s32 $0xFFFFE800  }
0x5d: {  	[hbm4b:s6+s3] =	stream.linear.scatter [tilespmem:s14], [sflag:$0x1], $0x1800, $0x38;
	[tilespmem:$0x5080] =	vst v63  }
0x5e: {  	_ =	swait.ge [sflag:s12], $0x1800  }
0x5f: {  	[sflag:s12] =	ssyncset.done $0x0  }
0x60: {  	[sflag:s12] =	ssyncadd.s32 $0xFFFFE800  }
0x61: {  	[hbm4b:s7+s3] =	stream.linear.scatter [tilespmem:s15], [sflag:$0x1], $0x1800, $0x38;
	[tilespmem:$0x5080] =	vst v63  }
0x62: {  	_ =	swait.ge [sflag:s12], $0x1800  }
0x63: {  	v5 =	vadd.s32 $0xFFFFF400, v8;
	s17 =	sadd.s32 $0x1, s17;
	[sflag:s12] =	ssyncset.done $0x0  }
0x64: {  	v5 =	vsel vm0, v7, v5;
	p0 =	sne.s32 s17, s9;
	[sflag:s12] =	ssyncadd.s32 $0xFFFFE800  }
.Ltmp3:
0x65: {  	[tilespmem:$0x5000] =	vst v5;
	(pc) =	sbr.rel @p0 .LBB2_1-.Ltmp3, $4  }
0x66: {  	[hbm4b:s8+s3] =	stream.linear.scatter [tilespmem:s16], [sflag:$0x1], $0x10, $0x38;
	[tilespmem:$0x5080] =	vst v63  }
0x67: {  	_ =	swait.ge [sflag:s12], $0x10  }
0x68: {  	[sflag:s12] =	ssyncset.done $0x0  }
0x69: {  	[sflag:s12] =	ssyncadd.s32 $0xFFFFFFF0  }
0x6a: {  	_ =	sfence.sel $0x180000  }
0x6b: {  	[bflag:$0x0] =	sbarrier.arrive $0xFFFF  }
0x6c: {  	p0 =	sne.s32 s2, $0x0;
	_ =	strace $0x90000047  }
0x6d: {  	s0 =	sadd.s32 @!p0 $0x100000, s1;
	[bflag:$0x2] =	sbarrier.arrive $0xFFFF  }
0x6e: {  	[sflag:s0] =	ssyncadd.tile.s32 @!p0 $0x1;
	_ =	shalt  }
.Lfunc_end2:
_tile_overlayer_lowered:
.L_overlay_start_2:
0x6f: {  	(tag) =	ssettag $0x2  }
0x70: {  	s0 =	rddreg [dreg:$0x0];
	s2 =	stileid.u32  }
0x71: {  	s1 =	rddreg [dreg:$0x1];
	p0 =	sne.s32 s2, $0x0  }
0x72: {  	s3 =	rddreg [dreg:$0x2];
	[bflag:$0x3] =	sbarrier.arrive $0xFFFF;
	s2 =	simm.s32 @!p0 $0x1C01  }
0x73: {  	[timem:s3], [sflag:s2] =	dma.local @!p0 [hbm:s0], s1  }
0x74: {  	s0 =	simm.s32 @!p0 $0x1  }
0x75: {  	_ =	swait.ge @!p0 [sflag:s0], s1  }
0x76: {  	s1 =	ssub.s32 @!p0 $0x0, s1;
	[sflag:s0] =	ssyncset.done @!p0 $0x0  }
0x77: {  	[sflag:s0] =	ssyncadd.s32 @!p0 s1  }
0x78: {  	[bflag:$0x3] =	sbarrier.arrive $0xFFFF  }
0x79: {  	_ =	shalt  }

</sc_bundles>
